<compile_context>
chip_gen: v7x
topology: tpu7x:2x2x1
jax: 0.10.2.dev20260603
libtpu: 0.0.44.dev20260713+nightly
codegen_flags: <defaults>
</compile_context>

<pallas_src>
import functools
import math

import jax
import jax.numpy as jnp
from jax import lax
from jax.experimental import pallas as pl
from jax.experimental.pallas import tpu as pltpu
from jax.experimental.pallas import tpu_sc as plsc

MIN_TEMP = 0.05


def _head_kernel(inv_t_ref, logits_ref, amp_ref,
                 probs_ref, colsum_ref, doubt_ref, support_ref):
    inv_t = inv_t_ref[0]
    for bb in range(logits_ref.shape[0]):
        _head_row(inv_t, logits_ref, amp_ref, probs_ref, colsum_ref,
                  doubt_ref, support_ref, bb)


def _head_row(inv_t, logits_ref, amp_ref, probs_ref, colsum_ref,
              doubt_ref, support_ref, bb):
    x = logits_ref[bb] * inv_t
    m = jnp.max(x, axis=-1, keepdims=True)
    e = jnp.exp(x - m)
    s = jnp.sum(e, axis=-1, keepdims=True)
    inv_s = 1.0 / s
    p = e * inv_s
    probs_ref[bb] = p
    amp = amp_ref[bb]
    colsum_ref[bb] = jax.lax.dot_general(
        amp, p, (((1,), (0,)), ((), ())),
        preferred_element_type=jnp.float32)
    px = jnp.sum(e * x, axis=-1, keepdims=True) * inv_s
    ent = m[:, 0] + jnp.log(s[:, 0]) - px[:, 0]
    n = logits_ref.shape[-1]
    doubt_ref[bb, 0] = ent * (1.0 / math.log(float(n)))
    support_ref[bb, 0] = jnp.exp(ent)


def _make_sc_scatter(B, N):
    info = plsc.get_sparse_core_info()
    NC, NS, L = info.num_cores, info.num_subcores, info.num_lanes
    mesh = plsc.VectorSubcoreMesh(core_axis_name="c", subcore_axis_name="s")
    rows_per_sc = B // NC
    sub_per_row = NS // rows_per_sc
    CH = N // sub_per_row

    @functools.partial(
        pl.kernel, mesh=mesh,
        out_type=jax.ShapeDtypeStruct((B * N,), jnp.float32),
        scratch_types=[
            pltpu.VMEM((CH,), jnp.int32),
            pltpu.VMEM((CH,), jnp.float32),
            pltpu.VMEM_SHARED((rows_per_sc * N,), jnp.float32),
        ],
    )
    def sc_scatter(perm_hbm, colsum_hbm, out_hbm, idx_v, val_v, acc):
        cid = lax.axis_index("c")
        sid = lax.axis_index("s")
        b_loc = sid // sub_per_row
        jbase = (sid % sub_per_row) * CH
        b = cid * rows_per_sc + b_loc
        pltpu.sync_copy(perm_hbm.at[pl.ds(jbase, CH)], idx_v)
        pltpu.sync_copy(colsum_hbm.at[pl.ds(b * N + jbase, CH)], val_v)
        off = b_loc * N

        def add_off(i, carry):
            sl = pl.ds(i * L, L)
            idx_v[sl] = idx_v[sl] + off
            return carry

        lax.fori_loop(0, CH // L, add_off, 0)
        pltpu.sync_copy(val_v, acc.at[idx_v])
        plsc.subcore_barrier()
        sl_out = rows_per_sc * N // NS
        pltpu.sync_copy(acc.at[pl.ds(sid * sl_out, sl_out)],
                        out_hbm.at[pl.ds(cid * rows_per_sc * N + sid * sl_out,
                                         sl_out)])

    return sc_scatter


def kernel(decoder_logits, bucket_amplitude, perm_1d, raw_temperature):
    B, C, N = decoder_logits.shape
    temperature = jnp.asarray(MIN_TEMP, decoder_logits.dtype) + jax.nn.softplus(
        raw_temperature).astype(decoder_logits.dtype)
    inv_t = (1.0 / temperature).reshape(1)
    amp3 = bucket_amplitude.reshape(B, 1, C)

    BB = 2
    grid_spec = pltpu.PrefetchScalarGridSpec(
        num_scalar_prefetch=1,
        grid=(B // BB,),
        in_specs=[
            pl.BlockSpec((BB, C, N), lambda b, s: (b, 0, 0)),
            pl.BlockSpec((BB, 1, C), lambda b, s: (b, 0, 0)),
        ],
        out_specs=[
            pl.BlockSpec((BB, C, N), lambda b, s: (b, 0, 0)),
            pl.BlockSpec((BB, 1, N), lambda b, s: (b, 0, 0)),
            pl.BlockSpec((BB, 1, C), lambda b, s: (b, 0, 0)),
            pl.BlockSpec((BB, 1, C), lambda b, s: (b, 0, 0)),
        ],
    )
    probs, colsum, doubt, support = pl.pallas_call(
        _head_kernel,
        grid_spec=grid_spec,
        out_shape=[
            jax.ShapeDtypeStruct((B, C, N), decoder_logits.dtype),
            jax.ShapeDtypeStruct((B, 1, N), decoder_logits.dtype),
            jax.ShapeDtypeStruct((B, 1, C), decoder_logits.dtype),
            jax.ShapeDtypeStruct((B, 1, C), decoder_logits.dtype),
        ],
        compiler_params=pltpu.CompilerParams(
            dimension_semantics=("arbitrary",),
        ),
    )(inv_t, decoder_logits, amp3)

    flat = _make_sc_scatter(B, N)(perm_1d.astype(jnp.int32),
                                  colsum.reshape(B * N))
    reconstruction = flat.reshape(B, N)
    return (reconstruction, probs, doubt.reshape(B, C), support.reshape(B, C),
            temperature)

# --- scband reference (transcript-rebuilt; emitter-appended) ---
"""Pipeline reference for scband-soft-scatter-reconstruction-head-26061861552509 (READ-ONLY COPY).

The authoritative reference and input builder live on the scoring server;
editing this copy changes nothing except your own understanding.
"""

import math
import jax, jax.numpy as jnp
import numpy as np

MIN_TEMPERATURE = 0.05
INIT_TEMPERATURE = 1.0
EPS = 1e-12

def _inverse_softplus(x):
    return x + math.log(-math.expm1(-x))

def setup_inputs(seed: int = 0) -> dict:
    key = jax.random.key(seed)
    k1, k2 = jax.random.split(key, 2)
    B, C, N = 16, 128, 4096
    decoder_logits = jax.random.normal(k1, (B, C, N), dtype=jnp.float32)
    bucket_amplitude = jax.random.normal(k2, (B, C), dtype=jnp.float32)
    perm_1d = jnp.arange(N, dtype=jnp.int64) if jax.config.read('jax_enable_x64') else jnp.arange(N, dtype=jnp.int32)
    raw_temperature = jnp.asarray(_inverse_softplus(INIT_TEMPERATURE - MIN_TEMPERATURE), dtype=jnp.float32)
    return {
        'decoder_logits': decoder_logits,
        'bucket_amplitude': bucket_amplitude,
        'perm_1d': perm_1d,
        'raw_temperature': raw_temperature,
    }

def reference(decoder_logits, bucket_amplitude, perm_1d, raw_temperature):
    B, C, n = decoder_logits.shape
    temperature = jnp.asarray(MIN_TEMPERATURE, decoder_logits.dtype) + jax.nn.softplus(raw_temperature).astype(decoder_logits.dtype)
    probs = jax.nn.softmax(decoder_logits / temperature, axis=-1)
    weighted_values = probs * bucket_amplitude.astype(decoder_logits.dtype)[:, :, None]
    source_index = jnp.broadcast_to(perm_1d.astype(jnp.int32)[None, None, :], (B, C, n)).reshape(B, -1)
    flat_vals = weighted_values.reshape(B, -1)
    reconstruction = jnp.zeros((B, n), dtype=decoder_logits.dtype).at[jnp.arange(B)[:, None], source_index].add(flat_vals)
    safe_probs = jnp.clip(probs, EPS, None)
    entropy = -(probs * jnp.log(safe_probs)).sum(axis=-1)
    doubt = entropy / jnp.log(jnp.asarray(float(n), decoder_logits.dtype))
    support = jnp.exp(entropy)
    return (reconstruction, probs, doubt, support, temperature)

if __name__ == "__main__":
    import jax
    _d = setup_inputs()
    print(jax.jit(kernel)(*tuple(_d.values())))

</pallas_src>

<mosaic_0001>
#map = affine_map<(d0, d1) -> (0)>
module attributes {stable_mosaic.version = 14 : i64} {
  func.func @sc_scatter(%arg0: i32, %arg1: i32, %arg2: memref<4096xi32, #tpu.memory_space<hbm>>, %arg3: memref<65536xf32, #tpu.memory_space<hbm>>, %arg4: memref<65536xf32, #tpu.memory_space<hbm>>, %arg5: memref<2048xi32, #tpu.memory_space<vmem>>, %arg6: memref<2048xf32, #tpu.memory_space<vmem>>, %arg7: memref<32768xf32, #tpu.memory_space<vmem_shared>>) attributes {dimension_semantics = [#tpu.dimension_semantics<core_parallel>, #tpu.dimension_semantics<subcore_parallel>], iteration_bounds = array<i64: 2, 16>, scalar_prefetch = 0 : i64, scratch_operands = 3 : i64, tpu.core_type = #tpu.core_type<sc_vector_subcore>, window_params = [{transform_indices = #map}, {transform_indices = #map}, {transform_indices = #map}]} {
    %jit3A = arith.constant 2 : i32
    %div3A = arith.divsi %arg1, %jit3A : i32
    %sign3A = arith.constant 0 : i32
    %sign3A_0 = arith.cmpi sgt, %arg1, %sign3A : i32
    %sign3A_1 = arith.extui %sign3A_0 : i1 to i32
    %sign3A_2 = arith.constant 0 : i32
    %sign3A_3 = arith.cmpi slt, %arg1, %sign3A_2 : i32
    %sign3A_4 = arith.extui %sign3A_3 : i1 to i32
    %sign3A_5 = arith.subi %sign3A_1, %sign3A_4 : i32
    %sign3A_6 = arith.constant 0 : i32
    %sign3A_7 = arith.cmpi sgt, %jit3A, %sign3A_6 : i32
    %sign3A_8 = arith.extui %sign3A_7 : i1 to i32
    %sign3A_9 = arith.constant 0 : i32
    %sign3A_10 = arith.cmpi slt, %jit3A, %sign3A_9 : i32
    %sign3A_11 = arith.extui %sign3A_10 : i1 to i32
    %sign3A_12 = arith.subi %sign3A_8, %sign3A_11 : i32
    %ne3A = arith.cmpi ne, %sign3A_5, %sign3A_12 : i32
    %rem3A = arith.remsi %arg1, %jit3A : i32
    %ne3A_13 = arith.constant 0 : i32
    %ne3A_14 = arith.cmpi ne, %rem3A, %ne3A_13 : i32
    %and3A = arith.andi %ne3A, %ne3A_14 : i1
    %sub3A = arith.constant 1 : i32
    %sub3A_15 = arith.subi %div3A, %sub3A : i32
    %select_n3A = arith.select %and3A, %sub3A_15, %div3A : i32
    %jit3A_16 = arith.constant 2 : i32
    %eq3A = arith.constant 0 : i32
    %eq3A_17 = arith.cmpi eq, %jit3A_16, %eq3A : i32
    %jit3A_18 = arith.constant 1 : i32
    %select_n3A_19 = arith.select %eq3A_17, %jit3A_18, %jit3A_16 : i32
    %rem3A_20 = arith.remsi %arg1, %select_n3A_19 : i32
    %ne3A_21 = arith.constant 0 : i32
    %ne3A_22 = arith.cmpi ne, %rem3A_20, %ne3A_21 : i32
    %lt3A = arith.constant 0 : i32
    %lt3A_23 = arith.cmpi slt, %rem3A_20, %lt3A : i32
    %lt3A_24 = arith.constant 0 : i32
    %lt3A_25 = arith.cmpi slt, %select_n3A_19, %lt3A_24 : i32
    %ne3A_26 = arith.xori %lt3A_23, %lt3A_25 : i1
    %and3A_27 = arith.andi %ne3A_26, %ne3A_22 : i1
    %add3A = arith.addi %rem3A_20, %select_n3A_19 : i32
    %select_n3A_28 = arith.select %and3A_27, %add3A, %rem3A_20 : i32
    %mul3A = arith.constant 2048 : i32
    %mul3A_29 = arith.muli %select_n3A_28, %mul3A : i32
    %mul3A_30 = arith.constant 8 : i32
    %mul3A_31 = arith.muli %arg0, %mul3A_30 : i32
    %add3A_32 = arith.addi %mul3A_31, %select_n3A : i32
    "tpu.region"() ({
      %run_scoped3A = tpu.sem_alloc : memref<!tpu.dma_semaphore, #tpu.memory_space<semaphore_mem>>
      %dma_start3A = tpu.memref_slice %arg2[%mul3A_29] : memref<4096xi32, #tpu.memory_space<hbm>> -> memref<2048xi32, #tpu.memory_space<hbm>>
      %dma_start3A_52 = tpu.memref_slice %arg2[%mul3A_29] : memref<4096xi32, #tpu.memory_space<hbm>> -> memref<2048xi32, #tpu.memory_space<hbm>>
      tpu.enqueue_dma source(%dma_start3A_52 : memref<2048xi32, #tpu.memory_space<hbm>>) target(%arg5 : memref<2048xi32, #tpu.memory_space<vmem>>) target_semaphore(%run_scoped3A : memref<!tpu.dma_semaphore, #tpu.memory_space<semaphore_mem>>)
      %dma_wait3A = tpu.memref_slice %arg2[%mul3A_29] : memref<4096xi32, #tpu.memory_space<hbm>> -> memref<2048xi32, #tpu.memory_space<hbm>>
      %dma_wait3A_53 = tpu.memref_slice %arg2[%mul3A_29] : memref<4096xi32, #tpu.memory_space<hbm>> -> memref<2048xi32, #tpu.memory_space<hbm>>
      tpu.wait_dma2 semaphore(%run_scoped3A : memref<!tpu.dma_semaphore, #tpu.memory_space<semaphore_mem>>) src(%dma_wait3A_53 : memref<2048xi32, #tpu.memory_space<hbm>>) dst(%arg5 : memref<2048xi32, #tpu.memory_space<vmem>>)
      tpu.yield
    }) : () -> ()
    %mul3A_33 = arith.constant 4096 : i32
    %mul3A_34 = arith.muli %add3A_32, %mul3A_33 : i32
    %add3A_35 = arith.addi %mul3A_34, %mul3A_29 : i32
    "tpu.region"() ({
      %run_scoped3A = tpu.sem_alloc : memref<!tpu.dma_semaphore, #tpu.memory_space<semaphore_mem>>
      %dma_start3A = tpu.memref_slice %arg3[%add3A_35] : memref<65536xf32, #tpu.memory_space<hbm>> -> memref<2048xf32, #tpu.memory_space<hbm>>
      %dma_start3A_52 = tpu.memref_slice %arg3[%add3A_35] : memref<65536xf32, #tpu.memory_space<hbm>> -> memref<2048xf32, #tpu.memory_space<hbm>>
      tpu.enqueue_dma source(%dma_start3A_52 : memref<2048xf32, #tpu.memory_space<hbm>>) target(%arg6 : memref<2048xf32, #tpu.memory_space<vmem>>) target_semaphore(%run_scoped3A : memref<!tpu.dma_semaphore, #tpu.memory_space<semaphore_mem>>)
      %dma_wait3A = tpu.memref_slice %arg3[%add3A_35] : memref<65536xf32, #tpu.memory_space<hbm>> -> memref<2048xf32, #tpu.memory_space<hbm>>
      %dma_wait3A_53 = tpu.memref_slice %arg3[%add3A_35] : memref<65536xf32, #tpu.memory_space<hbm>> -> memref<2048xf32, #tpu.memory_space<hbm>>
      tpu.wait_dma2 semaphore(%run_scoped3A : memref<!tpu.dma_semaphore, #tpu.memory_space<semaphore_mem>>) src(%dma_wait3A_53 : memref<2048xf32, #tpu.memory_space<hbm>>) dst(%arg6 : memref<2048xf32, #tpu.memory_space<vmem>>)
      tpu.yield
    }) : () -> ()
    %mul3A_36 = arith.constant 4096 : i32
    %mul3A_37 = arith.muli %select_n3A, %mul3A_36 : i32
    %scan3A = arith.constant 0 : i32
    %scan3A_38 = arith.constant 0 : i32
    %scan3A_39 = arith.constant 128 : i32
    %scan3A_40 = arith.addi %scan3A_38, %scan3A_39 : i32
    %scan3A_41 = arith.constant 1 : i32
    scf.for %scan3A_52 = %scan3A_38 to %scan3A_40 step %scan3A_41  : i32 {
      %mul3A_53 = arith.constant 16 : i32
      %mul3A_54 = arith.muli %scan3A_52, %mul3A_53 : i32
      %get3A = arith.index_cast %mul3A_54 : i32 to index
      %get3A_55 = tpu.vector_load %arg5[%get3A] {strides = array<i32>} : memref<2048xi32, #tpu.memory_space<vmem>>, vector<16xi32>,
      %get3A_56 = vector.shape_cast %get3A_55 : vector<16xi32> to vector<16xi32>
      %add3A_57 = vector.broadcast %mul3A_37 : i32 to vector<16xi32>
      %add3A_58 = arith.addi %get3A_56, %add3A_57 : vector<16xi32>
      %swap3A = arith.index_cast %mul3A_54 : i32 to index
      %swap3A_59 = tpu.vector_load %arg5[%swap3A] {strides = array<i32>} : memref<2048xi32, #tpu.memory_space<vmem>>, vector<16xi32>,
      %swap3A_60 = vector.shape_cast %swap3A_59 : vector<16xi32> to vector<16xi32>
      %swap3A_61 = vector.shape_cast %add3A_58 : vector<16xi32> to vector<16xi32>
      tpu.vector_store %arg5[%swap3A], %swap3A_61 {strides = array<i32>} : memref<2048xi32, #tpu.memory_space<vmem>>, vector<16xi32>,
    }
    %scan3A_42 = arith.constant 128 : i32
    "tpu.region"() ({
      %run_scoped3A = tpu.sem_alloc : memref<!tpu.dma_semaphore, #tpu.memory_space<semaphore_mem>>
      %dma_start3A = arith.constant 0 : i32
      %dma_start3A_52 = tpu.memref_slice %arg7[%dma_start3A] : memref<32768xf32, #tpu.memory_space<vmem_shared>> -> memref<32768xf32, #tpu.memory_space<vmem_shared>>
      tpu.enqueue_indirect_dma source(%arg6 : memref<2048xf32, #tpu.memory_space<vmem>>) target(%dma_start3A_52 : memref<32768xf32, #tpu.memory_space<vmem_shared>>) offsets(%arg5 : memref<2048xi32, #tpu.memory_space<vmem>>) semaphore(%run_scoped3A : memref<!tpu.dma_semaphore, #tpu.memory_space<semaphore_mem>>)
      %dma_wait3A = arith.constant 0 : i32
      %dma_wait3A_53 = tpu.memref_slice %arg7[%dma_wait3A] : memref<32768xf32, #tpu.memory_space<vmem_shared>> -> memref<32768xf32, #tpu.memory_space<vmem_shared>>
      tpu.wait_indirect_dma semaphore(%run_scoped3A : memref<!tpu.dma_semaphore, #tpu.memory_space<semaphore_mem>>) src(%arg6 : memref<2048xf32, #tpu.memory_space<vmem>>) dst(%dma_wait3A_53 : memref<32768xf32, #tpu.memory_space<vmem_shared>>)
      tpu.yield
    }) : () -> ()
    %barrier3A = arith.constant 0 : index
    tpu.barrier barrier_id(%barrier3A)
    %mul3A_43 = arith.constant 2048 : i32
    %mul3A_44 = arith.muli %arg1, %mul3A_43 : i32
    %mul3A_45 = arith.constant 8 : i32
    %mul3A_46 = arith.muli %arg0, %mul3A_45 : i32
    %mul3A_47 = arith.constant 4096 : i32
    %mul3A_48 = arith.muli %mul3A_46, %mul3A_47 : i32
    %mul3A_49 = arith.constant 2048 : i32
    %mul3A_50 = arith.muli %arg1, %mul3A_49 : i32
    %add3A_51 = arith.addi %mul3A_48, %mul3A_50 : i32
    "tpu.region"() ({
      %run_scoped3A = tpu.sem_alloc : memref<!tpu.dma_semaphore, #tpu.memory_space<semaphore_mem>>
      %dma_start3A = tpu.memref_slice %arg4[%add3A_51] : memref<65536xf32, #tpu.memory_space<hbm>> -> memref<2048xf32, #tpu.memory_space<hbm>>
      %dma_start3A_52 = tpu.memref_slice %arg7[%mul3A_44] : memref<32768xf32, #tpu.memory_space<vmem_shared>> -> memref<2048xf32, #tpu.memory_space<vmem_shared>>
      tpu.enqueue_dma source(%dma_start3A_52 : memref<2048xf32, #tpu.memory_space<vmem_shared>>) target(%dma_start3A : memref<2048xf32, #tpu.memory_space<hbm>>) target_semaphore(%run_scoped3A : memref<!tpu.dma_semaphore, #tpu.memory_space<semaphore_mem>>)
      %dma_wait3A = tpu.memref_slice %arg4[%add3A_51] : memref<65536xf32, #tpu.memory_space<hbm>> -> memref<2048xf32, #tpu.memory_space<hbm>>
      %dma_wait3A_53 = tpu.memref_slice %arg7[%mul3A_44] : memref<32768xf32, #tpu.memory_space<vmem_shared>> -> memref<2048xf32, #tpu.memory_space<vmem_shared>>
      tpu.wait_dma2 semaphore(%run_scoped3A : memref<!tpu.dma_semaphore, #tpu.memory_space<semaphore_mem>>) src(%dma_wait3A_53 : memref<2048xf32, #tpu.memory_space<vmem_shared>>) dst(%dma_wait3A : memref<2048xf32, #tpu.memory_space<hbm>>)
      tpu.yield
    }) : () -> ()
    return
  }
}

module attributes {stable_mosaic.version = 14 : i64} {
  func.func @_head_kernel(%arg0: i32, %arg1: memref<1xf32, #tpu.memory_space<smem>>, %arg2: memref<2x128x4096xf32, #tpu.memory_space<vmem>>, %arg3: memref<2x1x128xf32, #tpu.memory_space<vmem>>, %arg4: memref<2x128x4096xf32, #tpu.memory_space<vmem>>, %arg5: memref<2x1x4096xf32, #tpu.memory_space<vmem>>, %arg6: memref<2x1x128xf32, #tpu.memory_space<vmem>>, %arg7: memref<2x1x128xf32, #tpu.memory_space<vmem>>) attributes {dimension_semantics = [#tpu.dimension_semantics<arbitrary>], iteration_bounds = array<i64: 8>, scalar_prefetch = 1 : i64, scratch_operands = 0 : i64, tpu.core_type = #tpu.core_type<tc>, window_params = [{transform_indices = @transform_0, window_bounds = array<i64: 2, 128, 4096>}, {transform_indices = @transform_1, window_bounds = array<i64: 2, 1, 128>}, {transform_indices = @transform_2, window_bounds = array<i64: 2, 128, 4096>}, {transform_indices = @transform_3, window_bounds = array<i64: 2, 1, 4096>}, {transform_indices = @transform_4, window_bounds = array<i64: 2, 1, 128>}, {transform_indices = @transform_5, window_bounds = array<i64: 2, 1, 128>}]} {
    %get3A = arith.constant 0 : index
    %get3A_0 = memref.load %arg1[%get3A] : memref<1xf32, #tpu.memory_space<smem>>
    %get3A_1 = arith.constant 0 : index
    %get3A_2 = arith.constant 0 : index
    %get3A_3 = arith.constant 0 : index
    %get3A_4 = vector.load %arg2[%get3A_1, %get3A_2, %get3A_3] : memref<2x128x4096xf32, #tpu.memory_space<vmem>>, vector<1x128x4096xf32>
    %get3A_5 = vector.shape_cast %get3A_4 : vector<1x128x4096xf32> to vector<128x4096xf32>
    %mul3A = vector.broadcast %get3A_0 : f32 to vector<128x4096xf32>
    %mul3A_6 = arith.mulf %get3A_5, %mul3A : vector<128x4096xf32>
    %reduce_max3A = arith.constant dense<0xFF800000> : vector<128xf32>
    %reduce_max3A_7 = vector.multi_reduction <maximumf>, %mul3A_6, %reduce_max3A [1] : vector<128x4096xf32> to vector<128xf32>
    %broadcast_in_dim3A = vector.shape_cast %reduce_max3A_7 : vector<128xf32> to vector<128x1xf32>
    %sub3A = vector.broadcast %broadcast_in_dim3A : vector<128x1xf32> to vector<128x4096xf32>
    %sub3A_8 = arith.subf %mul3A_6, %sub3A : vector<128x4096xf32>
    %exp3A = math.exp %sub3A_8 : vector<128x4096xf32>
    %reduce_sum3A = arith.constant dense<0.000000e+00> : vector<128xf32>
    %reduce_sum3A_9 = vector.multi_reduction <add>, %exp3A, %reduce_sum3A [1] : vector<128x4096xf32> to vector<128xf32>
    %broadcast_in_dim3A_10 = vector.shape_cast %reduce_sum3A_9 : vector<128xf32> to vector<128x1xf32>
    %div3A = arith.constant 1.000000e+00 : f32
    %div3A_11 = vector.broadcast %div3A : f32 to vector<128x1xf32>
    %div3A_12 = arith.divf %div3A_11, %broadcast_in_dim3A_10 : vector<128x1xf32>
    %mul3A_13 = vector.broadcast %div3A_12 : vector<128x1xf32> to vector<128x4096xf32>
    %mul3A_14 = arith.mulf %exp3A, %mul3A_13 : vector<128x4096xf32>
    %swap3A = arith.constant 0 : index
    %swap3A_15 = arith.constant 0 : index
    %swap3A_16 = arith.constant 0 : index
    %swap3A_17 = vector.load %arg4[%swap3A, %swap3A_15, %swap3A_16] : memref<2x128x4096xf32, #tpu.memory_space<vmem>>, vector<1x128x4096xf32>
    %swap3A_18 = vector.shape_cast %swap3A_17 : vector<1x128x4096xf32> to vector<128x4096xf32>
    %swap3A_19 = vector.shape_cast %mul3A_14 : vector<128x4096xf32> to vector<1x128x4096xf32>
    tpu.vector_store %arg4[%swap3A, %swap3A_15, %swap3A_16], %swap3A_19 {strides = array<i32>} : memref<2x128x4096xf32, #tpu.memory_space<vmem>>, vector<1x128x4096xf32>,
    %get3A_20 = arith.constant 0 : index
    %get3A_21 = arith.constant 0 : index
    %get3A_22 = arith.constant 0 : index
    %get3A_23 = vector.load %arg3[%get3A_20, %get3A_21, %get3A_22] : memref<2x1x128xf32, #tpu.memory_space<vmem>>, vector<1x1x128xf32>
    %get3A_24 = vector.shape_cast %get3A_23 : vector<1x1x128xf32> to vector<1x128xf32>
    %dot_general3A = arith.constant dense<0.000000e+00> : vector<1x4096xf32>
    %dot_general3A_25 = tpu.matmul %get3A_24, %mul3A_14, %dot_general3A {dimension_numbers = #tpu.dot_dimension_numbers<[1], [0], [0], [1], [0, 0, 1, 1], [], []>, transpose_lhs_hint = false} : vector<1x128xf32>, vector<128x4096xf32>, vector<1x4096xf32> -> vector<1x4096xf32>
    %swap3A_26 = arith.constant 0 : index
    %swap3A_27 = arith.constant 0 : index
    %swap3A_28 = arith.constant 0 : index
    %swap3A_29 = vector.load %arg5[%swap3A_26, %swap3A_27, %swap3A_28] : memref<2x1x4096xf32, #tpu.memory_space<vmem>>, vector<1x1x4096xf32>
    %swap3A_30 = vector.shape_cast %swap3A_29 : vector<1x1x4096xf32> to vector<1x4096xf32>
    %swap3A_31 = vector.shape_cast %dot_general3A_25 : vector<1x4096xf32> to vector<1x1x4096xf32>
    tpu.vector_store %arg5[%swap3A_26, %swap3A_27, %swap3A_28], %swap3A_31 {strides = array<i32>} : memref<2x1x4096xf32, #tpu.memory_space<vmem>>, vector<1x1x4096xf32>,
    %mul3A_32 = arith.mulf %exp3A, %mul3A_6 : vector<128x4096xf32>
    %reduce_sum3A_33 = arith.constant dense<0.000000e+00> : vector<128xf32>
    %reduce_sum3A_34 = vector.multi_reduction <add>, %mul3A_32, %reduce_sum3A_33 [1] : vector<128x4096xf32> to vector<128xf32>
    %broadcast_in_dim3A_35 = vector.shape_cast %reduce_sum3A_34 : vector<128xf32> to vector<128x1xf32>
    %mul3A_36 = arith.mulf %broadcast_in_dim3A_35, %div3A_12 : vector<128x1xf32>
    %squeeze3A = vector.shape_cast %broadcast_in_dim3A : vector<128x1xf32> to vector<128xf32>
    %squeeze3A_37 = vector.shape_cast %broadcast_in_dim3A_10 : vector<128x1xf32> to vector<128xf32>
    %log3A = math.log %squeeze3A_37 : vector<128xf32>
    %add3A = arith.addf %squeeze3A, %log3A : vector<128xf32>
    %squeeze3A_38 = vector.shape_cast %mul3A_36 : vector<128x1xf32> to vector<128xf32>
    %sub3A_39 = arith.subf %add3A, %squeeze3A_38 : vector<128xf32>
    %mul3A_40 = arith.constant 0.120224588 : f32
    %mul3A_41 = vector.broadcast %mul3A_40 : f32 to vector<128xf32>
    %mul3A_42 = arith.mulf %sub3A_39, %mul3A_41 : vector<128xf32>
    %swap3A_43 = arith.constant 0 : index
    %swap3A_44 = arith.constant 0 : index
    %swap3A_45 = arith.constant 0 : index
    %swap3A_46 = vector.load %arg6[%swap3A_43, %swap3A_44, %swap3A_45] : memref<2x1x128xf32, #tpu.memory_space<vmem>>, vector<1x1x128xf32>
    %swap3A_47 = vector.shape_cast %swap3A_46 : vector<1x1x128xf32> to vector<128xf32>
    %swap3A_48 = vector.shape_cast %mul3A_42 : vector<128xf32> to vector<1x1x128xf32>
    tpu.vector_store %arg6[%swap3A_43, %swap3A_44, %swap3A_45], %swap3A_48 {strides = array<i32>} : memref<2x1x128xf32, #tpu.memory_space<vmem>>, vector<1x1x128xf32>,
    %exp3A_49 = math.exp %sub3A_39 : vector<128xf32>
    %swap3A_50 = arith.constant 0 : index
    %swap3A_51 = arith.constant 0 : index
    %swap3A_52 = arith.constant 0 : index
    %swap3A_53 = vector.load %arg7[%swap3A_50, %swap3A_51, %swap3A_52] : memref<2x1x128xf32, #tpu.memory_space<vmem>>, vector<1x1x128xf32>
    %swap3A_54 = vector.shape_cast %swap3A_53 : vector<1x1x128xf32> to vector<128xf32>
    %swap3A_55 = vector.shape_cast %exp3A_49 : vector<128xf32> to vector<1x1x128xf32>
    tpu.vector_store %arg7[%swap3A_50, %swap3A_51, %swap3A_52], %swap3A_55 {strides = array<i32>} : memref<2x1x128xf32, #tpu.memory_space<vmem>>, vector<1x1x128xf32>,
    %get3A_56 = arith.constant 1 : index
    %get3A_57 = arith.constant 0 : index
    %get3A_58 = arith.constant 0 : index
    %get3A_59 = vector.load %arg2[%get3A_56, %get3A_57, %get3A_58] : memref<2x128x4096xf32, #tpu.memory_space<vmem>>, vector<1x128x4096xf32>
    %get3A_60 = vector.shape_cast %get3A_59 : vector<1x128x4096xf32> to vector<128x4096xf32>
    %mul3A_61 = vector.broadcast %get3A_0 : f32 to vector<128x4096xf32>
    %mul3A_62 = arith.mulf %get3A_60, %mul3A_61 : vector<128x4096xf32>
    %reduce_max3A_63 = arith.constant dense<0xFF800000> : vector<128xf32>
    %reduce_max3A_64 = vector.multi_reduction <maximumf>, %mul3A_62, %reduce_max3A_63 [1] : vector<128x4096xf32> to vector<128xf32>
    %broadcast_in_dim3A_65 = vector.shape_cast %reduce_max3A_64 : vector<128xf32> to vector<128x1xf32>
    %sub3A_66 = vector.broadcast %broadcast_in_dim3A_65 : vector<128x1xf32> to vector<128x4096xf32>
    %sub3A_67 = arith.subf %mul3A_62, %sub3A_66 : vector<128x4096xf32>
    %exp3A_68 = math.exp %sub3A_67 : vector<128x4096xf32>
    %reduce_sum3A_69 = arith.constant dense<0.000000e+00> : vector<128xf32>
    %reduce_sum3A_70 = vector.multi_reduction <add>, %exp3A_68, %reduce_sum3A_69 [1] : vector<128x4096xf32> to vector<128xf32>
    %broadcast_in_dim3A_71 = vector.shape_cast %reduce_sum3A_70 : vector<128xf32> to vector<128x1xf32>
    %div3A_72 = arith.constant 1.000000e+00 : f32
    %div3A_73 = vector.broadcast %div3A_72 : f32 to vector<128x1xf32>
    %div3A_74 = arith.divf %div3A_73, %broadcast_in_dim3A_71 : vector<128x1xf32>
    %mul3A_75 = vector.broadcast %div3A_74 : vector<128x1xf32> to vector<128x4096xf32>
    %mul3A_76 = arith.mulf %exp3A_68, %mul3A_75 : vector<128x4096xf32>
    %swap3A_77 = arith.constant 1 : index
    %swap3A_78 = arith.constant 0 : index
    %swap3A_79 = arith.constant 0 : index
    %swap3A_80 = vector.load %arg4[%swap3A_77, %swap3A_78, %swap3A_79] : memref<2x128x4096xf32, #tpu.memory_space<vmem>>, vector<1x128x4096xf32>
    %swap3A_81 = vector.shape_cast %swap3A_80 : vector<1x128x4096xf32> to vector<128x4096xf32>
    %swap3A_82 = vector.shape_cast %mul3A_76 : vector<128x4096xf32> to vector<1x128x4096xf32>
    tpu.vector_store %arg4[%swap3A_77, %swap3A_78, %swap3A_79], %swap3A_82 {strides = array<i32>} : memref<2x128x4096xf32, #tpu.memory_space<vmem>>, vector<1x128x4096xf32>,
    %get3A_83 = arith.constant 1 : index
    %get3A_84 = arith.constant 0 : index
    %get3A_85 = arith.constant 0 : index
    %get3A_86 = vector.load %arg3[%get3A_83, %get3A_84, %get3A_85] : memref<2x1x128xf32, #tpu.memory_space<vmem>>, vector<1x1x128xf32>
    %get3A_87 = vector.shape_cast %get3A_86 : vector<1x1x128xf32> to vector<1x128xf32>
    %dot_general3A_88 = arith.constant dense<0.000000e+00> : vector<1x4096xf32>
    %dot_general3A_89 = tpu.matmul %get3A_87, %mul3A_76, %dot_general3A_88 {dimension_numbers = #tpu.dot_dimension_numbers<[1], [0], [0], [1], [0, 0, 1, 1], [], []>, transpose_lhs_hint = false} : vector<1x128xf32>, vector<128x4096xf32>, vector<1x4096xf32> -> vector<1x4096xf32>
    %swap3A_90 = arith.constant 1 : index
    %swap3A_91 = arith.constant 0 : index
    %swap3A_92 = arith.constant 0 : index
    %swap3A_93 = vector.load %arg5[%swap3A_90, %swap3A_91, %swap3A_92] : memref<2x1x4096xf32, #tpu.memory_space<vmem>>, vector<1x1x4096xf32>
    %swap3A_94 = vector.shape_cast %swap3A_93 : vector<1x1x4096xf32> to vector<1x4096xf32>
    %swap3A_95 = vector.shape_cast %dot_general3A_89 : vector<1x4096xf32> to vector<1x1x4096xf32>
    tpu.vector_store %arg5[%swap3A_90, %swap3A_91, %swap3A_92], %swap3A_95 {strides = array<i32>} : memref<2x1x4096xf32, #tpu.memory_space<vmem>>, vector<1x1x4096xf32>,
    %mul3A_96 = arith.mulf %exp3A_68, %mul3A_62 : vector<128x4096xf32>
    %reduce_sum3A_97 = arith.constant dense<0.000000e+00> : vector<128xf32>
    %reduce_sum3A_98 = vector.multi_reduction <add>, %mul3A_96, %reduce_sum3A_97 [1] : vector<128x4096xf32> to vector<128xf32>
    %broadcast_in_dim3A_99 = vector.shape_cast %reduce_sum3A_98 : vector<128xf32> to vector<128x1xf32>
    %mul3A_100 = arith.mulf %broadcast_in_dim3A_99, %div3A_74 : vector<128x1xf32>
    %squeeze3A_101 = vector.shape_cast %broadcast_in_dim3A_65 : vector<128x1xf32> to vector<128xf32>
    %squeeze3A_102 = vector.shape_cast %broadcast_in_dim3A_71 : vector<128x1xf32> to vector<128xf32>
    %log3A_103 = math.log %squeeze3A_102 : vector<128xf32>
    %add3A_104 = arith.addf %squeeze3A_101, %log3A_103 : vector<128xf32>
    %squeeze3A_105 = vector.shape_cast %mul3A_100 : vector<128x1xf32> to vector<128xf32>
    %sub3A_106 = arith.subf %add3A_104, %squeeze3A_105 : vector<128xf32>
    %mul3A_107 = arith.constant 0.120224588 : f32
    %mul3A_108 = vector.broadcast %mul3A_107 : f32 to vector<128xf32>
    %mul3A_109 = arith.mulf %sub3A_106, %mul3A_108 : vector<128xf32>
    %swap3A_110 = arith.constant 1 : index
    %swap3A_111 = arith.constant 0 : index
    %swap3A_112 = arith.constant 0 : index
    %swap3A_113 = vector.load %arg6[%swap3A_110, %swap3A_111, %swap3A_112] : memref<2x1x128xf32, #tpu.memory_space<vmem>>, vector<1x1x128xf32>
    %swap3A_114 = vector.shape_cast %swap3A_113 : vector<1x1x128xf32> to vector<128xf32>
    %swap3A_115 = vector.shape_cast %mul3A_109 : vector<128xf32> to vector<1x1x128xf32>
    tpu.vector_store %arg6[%swap3A_110, %swap3A_111, %swap3A_112], %swap3A_115 {strides = array<i32>} : memref<2x1x128xf32, #tpu.memory_space<vmem>>, vector<1x1x128xf32>,
    %exp3A_116 = math.exp %sub3A_106 : vector<128xf32>
    %swap3A_117 = arith.constant 1 : index
    %swap3A_118 = arith.constant 0 : index
    %swap3A_119 = arith.constant 0 : index
    %swap3A_120 = vector.load %arg7[%swap3A_117, %swap3A_118, %swap3A_119] : memref<2x1x128xf32, #tpu.memory_space<vmem>>, vector<1x1x128xf32>
    %swap3A_121 = vector.shape_cast %swap3A_120 : vector<1x1x128xf32> to vector<128xf32>
    %swap3A_122 = vector.shape_cast %exp3A_116 : vector<128xf32> to vector<1x1x128xf32>
    tpu.vector_store %arg7[%swap3A_117, %swap3A_118, %swap3A_119], %swap3A_122 {strides = array<i32>} : memref<2x1x128xf32, #tpu.memory_space<vmem>>, vector<1x1x128xf32>,
    return
  }
  func.func @transform_0(%arg0: i32, %arg1: memref<1xf32, #tpu.memory_space<smem>>) -> (i32, i32, i32) {
    %c0_i32 = arith.constant 0 : i32
    %c0_i32_0 = arith.constant 0 : i32
    %c0_i32_1 = arith.constant 0 : i32
    return %arg0, %c0_i32, %c0_i32_0 : i32, i32, i32
  }
  func.func @transform_1(%arg0: i32, %arg1: memref<1xf32, #tpu.memory_space<smem>>) -> (i32, i32, i32) {
    %c0_i32 = arith.constant 0 : i32
    %c0_i32_0 = arith.constant 0 : i32
    %c0_i32_1 = arith.constant 0 : i32
    return %arg0, %c0_i32, %c0_i32_0 : i32, i32, i32
  }
  func.func @transform_2(%arg0: i32, %arg1: memref<1xf32, #tpu.memory_space<smem>>) -> (i32, i32, i32) {
    %c0_i32 = arith.constant 0 : i32
    %c0_i32_0 = arith.constant 0 : i32
    %c0_i32_1 = arith.constant 0 : i32
    return %arg0, %c0_i32, %c0_i32_0 : i32, i32, i32
  }
  func.func @transform_3(%arg0: i32, %arg1: memref<1xf32, #tpu.memory_space<smem>>) -> (i32, i32, i32) {
    %c0_i32 = arith.constant 0 : i32
    %c0_i32_0 = arith.constant 0 : i32
    %c0_i32_1 = arith.constant 0 : i32
    return %arg0, %c0_i32, %c0_i32_0 : i32, i32, i32
  }
  func.func @transform_4(%arg0: i32, %arg1: memref<1xf32, #tpu.memory_space<smem>>) -> (i32, i32, i32) {
    %c0_i32 = arith.constant 0 : i32
    %c0_i32_0 = arith.constant 0 : i32
    %c0_i32_1 = arith.constant 0 : i32
    return %arg0, %c0_i32, %c0_i32_0 : i32, i32, i32
  }
  func.func @transform_5(%arg0: i32, %arg1: memref<1xf32, #tpu.memory_space<smem>>) -> (i32, i32, i32) {
    %c0_i32 = arith.constant 0 : i32
    %c0_i32_0 = arith.constant 0 : i32
    %c0_i32_1 = arith.constant 0 : i32
    return %arg0, %c0_i32, %c0_i32_0 : i32, i32, i32
  }
}

</mosaic_0001>

<sc_bundles>
// kernel: kernel.4.cloned.1.call-start
scs
__scs_entry_jumppad:
0x0: {  	(pc) =	sbr.rel $0x88, $3  }
0x1: {  	(tag) =	ssettag $0x0;
	lr =	simm.s32 $0x1  }
0x2: {  	[smem:$0x3F9D] =	sst lr;
	_ =	strace $0xD0000000  }
0x3: {  	_ = 	snop  }
0x4: {  	_ = 	snop  }
0x5: {  	_ = 	snop  }
0x6: {  	_ = 	snop  }
0x7: {  	_ = 	snop  }
__scs_overlays_trampoline_lowered:
0x8: {  	[smem:$0x3FAC] =	sst s0  }
0x9: {  	[smem:$0x3FAD] =	sst s1  }
0xa: {  	[smem:$0x3FAE] =	sst s2  }
0xb: {  	[smem:$0x3FAF] =	sst s3  }
0xc: {  	[smem:$0x3FB0] =	sst s4  }
0xd: {  	[smem:$0x3FB1] =	sst s5  }
0xe: {  	[smem:$0x3FB2] =	sst s6  }
0xf: {  	[smem:$0x3FB3] =	sst s7  }
0x10: {  	[smem:$0x3FB4] =	sst s8  }
0x11: {  	[smem:$0x3FB5] =	sst s9;
	s0 =	simm.s32 @!p0 $0x0  }
0x12: {  	s1 =	sld [smem:$0x3F9B];
	s0 =	simm.s32 @p0 $0x1  }
0x13: {  	[smem:$0x3FB6] =	sst s0;
	s0 =	simm.s32 @!p1 $0x0  }
0x14: {  	s2 =	sld [smem:$0x3F9A];
	s0 =	simm.s32 @p1 $0x1  }
0x15: {  	[smem:$0x3FB7] =	sst s0;
	s0 =	simm.s32 @!p2 $0x0  }
0x16: {  	s3 =	sld [smem:$0x3FDB];
	s0 =	simm.s32 @p2 $0x1  }
0x17: {  	s4 =	simm.s32 $0x1BF5;
	[smem:$0x3FB9] =	sst s0  }
0x18: {  	s0 =	sld [smem:$0x3F9C];
	_ =	swait.ge [sflag:s4], $0x0  }
0x19: {  	s7 =	sld [smem:$0x3F9D]  }
0x1a: {  	s8 =	sadd.s32 $0xFFFFE003, lr  }
0x1b: {  	s9 =	sadd.s32 $0xFFFFFEF7, lr;
	s5 =	simm.s32 $0xFFFFFFFF;
	p2 =	slt.u32 s8, $0xFFFFF086  }
0x1c: {  	p1 =	slt.u32 s9, $0xF7A;
	s5 =	simm.s32 @!p2 $0x0  }
0x1d: {  	s5 =	simm.s32 @p1 $0x1;
	p0 =	seq.s32 s7, s2  }
0x1e: {  	s7 =	smul.u32 @!p0 $0xF7A, s2;
	p2 =	seq.s32 @!p0 s5, $0x0  }
0x1f: {  	s9 =	smul.u32 $0xF7A, s1;
	s8 =	simm.s32 @!p0 $0x1BF5;
	p2 =	por !p2, p0  }
0x20: {  	[sflag:s8] =	ssyncset.s32 @!p0 $0xFFFFF086;
	s6 =	sadd.s32 @!p0 s3, s7;
	s7 =	simm.s32 @!p0 $0x108  }
0x21: {  	s3 =	sadd.s32 s3, s9;
	s6 =	sadd.s32 @!p0 $0x88, s6;
	s7 =	simm.s32 @p2 $0x1082  }
0x22: {  	[simem:s7], [sflag:s8] =	dma.local @!p0 [hbm:s6], $0xF7A  }
0x23: {  	s9 =	sor.u32 $0xD0000000, s2;
	s6 =	simm.s32 $0x108;
	_ =	swait.ge @!p0 [sflag:s8], $0x0  }
0x24: {  	s3 =	sadd.s32 $0x88, s3;
	s6 =	simm.s32 @!p1 $0x1082;
	[sflag:s4] =	ssyncset.s32 $0xFFFFF086  }
0x25: {  	[simem:s6], [sflag:s4] =	dma.local [hbm:s3], $0xF7A  }
0x26: {  	[smem:$0x3F9D] =	sst s1;
	(tag) =	ssettag s2;
	_ =	strace s9  }
0x27: {  	s1 =	sld [smem:$0x3FAD]  }
0x28: {  	s2 =	sld [smem:$0x3FAE]  }
0x29: {  	s4 =	sld [smem:$0x3FB0]  }
0x2a: {  	p0 =	seq.s32 s5, $0x0;
	s5 =	sld [smem:$0x3FB1]  }
0x2b: {  	s6 =	sld [smem:$0x3FB2]  }
0x2c: {  	s7 =	sld [smem:$0x3FB3]  }
0x2d: {  	s3 =	simm.s32 $0x108;
	s8 =	sld [smem:$0x3FB4]  }
0x2e: {  	s3 =	simm.s32 @!p0 $0x1082;
	s9 =	sld [smem:$0x3FB5]  }
0x2f: {  	lr =	sadd.s32 s0, s3;
	s0 =	sld [smem:$0x3FAC]  }
0x30: {  	s3 =	sld [smem:$0x3FAF]  }
0x31: {  	[smem:$0x3FB8] =	sst s10  }
0x32: {  	s10 =	sld [smem:$0x3FB6];
	_ =	sdelay $0x3  }
0x33: {  	p0 =	seq.s32 s10, $0x1;
	s10 =	sld [smem:$0x3FB8];
	_ =	sdelay $0x3  }
0x34: {  	[smem:$0x3FB8] =	sst s10  }
0x35: {  	s10 =	sld [smem:$0x3FB7];
	_ =	sdelay $0x3  }
0x36: {  	p1 =	seq.s32 s10, $0x1;
	s10 =	sld [smem:$0x3FB8];
	_ =	sdelay $0x3  }
0x37: {  	[smem:$0x3FB8] =	sst s10  }
0x38: {  	s10 =	sld [smem:$0x3FB9]  }
0x39: {  	_ = 	snop;
	(pc) =	sbr.ind lr, $3  }
0x3a: {  	_ = 	snop  }
0x3b: {  	_ = 	snop  }
0x3c: {  	p2 =	seq.s32 s10, $0x1;
	s10 =	sld [smem:$0x3FB8]  }
0x3d: {  	_ =	shalt  }
0x3e: {  	_ =	shalt  }
0x3f: {  	_ =	shalt  }
0x40: {  	_ =	shalt  }
0x41: {  	_ =	shalt  }
0x42: {  	_ =	shalt  }
0x43: {  	_ =	shalt  }
0x44: {  	_ =	shalt  }
0x45: {  	_ =	shalt  }
0x46: {  	_ =	shalt  }
0x47: {  	_ =	shalt  }
0x48: {  	_ =	shalt  }
0x49: {  	_ =	shalt  }
0x4a: {  	_ =	shalt  }
0x4b: {  	_ =	shalt  }
0x4c: {  	_ =	shalt  }
0x4d: {  	_ =	shalt  }
0x4e: {  	_ =	shalt  }
0x4f: {  	_ =	shalt  }
0x50: {  	_ =	shalt  }
0x51: {  	_ =	shalt  }
0x52: {  	_ =	shalt  }
0x53: {  	_ =	shalt  }
0x54: {  	_ =	shalt  }
0x55: {  	_ =	shalt  }
0x56: {  	_ =	shalt  }
0x57: {  	_ =	shalt  }
0x58: {  	_ =	shalt  }
0x59: {  	_ =	shalt  }
0x5a: {  	_ =	shalt  }
0x5b: {  	_ =	shalt  }
0x5c: {  	_ =	shalt  }
0x5d: {  	_ =	shalt  }
0x5e: {  	_ =	shalt  }
0x5f: {  	_ =	shalt  }
0x60: {  	_ =	shalt  }
0x61: {  	_ =	shalt  }
0x62: {  	_ =	shalt  }
0x63: {  	_ =	shalt  }
0x64: {  	_ =	shalt  }
0x65: {  	_ =	shalt  }
0x66: {  	_ =	shalt  }
0x67: {  	_ =	shalt  }
0x68: {  	_ =	shalt  }
0x69: {  	_ =	shalt  }
0x6a: {  	_ =	shalt  }
0x6b: {  	_ =	shalt  }
0x6c: {  	_ =	shalt  }
0x6d: {  	_ =	shalt  }
0x6e: {  	_ =	shalt  }
0x6f: {  	_ =	shalt  }
0x70: {  	_ =	shalt  }
0x71: {  	_ =	shalt  }
0x72: {  	_ =	shalt  }
0x73: {  	_ =	shalt  }
0x74: {  	_ =	shalt  }
0x75: {  	_ =	shalt  }
0x76: {  	_ =	shalt  }
0x77: {  	_ =	shalt  }
0x78: {  	_ =	shalt  }
0x79: {  	_ =	shalt  }
0x7a: {  	_ =	shalt  }
0x7b: {  	_ =	shalt  }
0x7c: {  	_ =	shalt  }
0x7d: {  	_ =	shalt  }
0x7e: {  	_ =	shalt  }
0x7f: {  	_ =	shalt  }
0x80: {  	_ =	shalt  }
0x81: {  	_ =	shalt  }
0x82: {  	_ =	shalt  }
0x83: {  	_ =	shalt  }
0x84: {  	_ =	shalt  }
0x85: {  	_ =	shalt  }
0x86: {  	_ =	shalt  }
0x87: {  	_ =	shalt  }
.Lfunc_end0:
.L_simem_size_0:
called_computation_lowered:
.L_overlay_start_0:
0x88: {  	s2 =	sld [smem:$0x3FD9]  }
0x89: {  	s3 =	sld [smem:$0x3FFE];
	_ =	sdelay $0x1  }
0x8a: {  	s1 =	srdreg.scid  }
0x8b: {  	s0 =	sand.u32 $0x1, s1  }
0x8c: {  	s14 =	sshll.u32 s0, $0xA;
	s2 =	sadd.s32 s3, s2  }
0x8d: {  	s2 =	sadd.s32 s2, s14  }
0x8e: {  	[smem:$0x3FC4] =	sst s2  }
0x8f: {  	_ = 	snop  }
0x90: {  	s2 =	sld [smem:$0x3FD0];
	_ =	sdelay $0x2  }
0x91: {  	s4 =	simm.s32 $0xA;
	s5 =	simm.s32 $0x10;
	s15 =	sld [smem:$0x3FC7]  }
0x92: {  	[smem:s5], [sflag:s4] =	dma.local [hbm:s2], $0x1  }
0x93: {  	_ =	swait.eq [sflag:s4], $0x1  }
0x94: {  	[sflag:s4] =	ssyncset.done $0x0  }
0x95: {  	[sflag:s4] =	ssyncadd.s32 $0xFFFFFFFF  }
0x96: {  	s16 =	sld [smem:$0x10];
	(tm) =	ssettm $0x1  }
0x97: {  	s17 =	sld [smem:$0x3FFB];
	_ =	sdelay $0x3  }
0x98: {  	_ =	strace s17  }
0x99: {  	s4 =	sld [smem:$0x3FFC];
	_ =	sdelay $0x3  }
0x9a: {  	_ =	strace s4  }
0x9b: {  	s4 =	sld [smem:$0x3FFD];
	_ =	sdelay $0x3  }
0x9c: {  	_ =	strace s4  }
0x9d: {  	_ =	strace $0x8FFFFFFF  }
0x9e: {  	s18 =	sld [smem:$0x3FDB];
	_ =	sdelay $0x1  }
0x9f: {  	s19 =	simm.s32 $_scs_section_size  }
0xa0: {  	s6 =	simm.s32 $_size__tile_overlayer_lowered;
	s7 =	simm.s32 $_tile_overlayer_lowered  }
0xa1: {  	s22 =	simm.s32 $0x1BFF;
	s21 =	sshll.u32 s7, $0x1;
	s4 =	sadd.s32 s19, s18  }
0xa2: {  	s8 =	simm.s32 $0x0;
	s20 =	sshll.u32 s6, $0x1;
	s6 =	sadd.s32 s21, s4  }
0xa3: {  	[timem:s8], [sflag:s22] =	dma.local [hbm:s6], s20  }
0xa4: {  	_ =	swait.ge [sflag:s22], s20  }
0xa5: {  	s5 =	ssub.s32 $0x0, s20;
	[sflag:s22] =	ssyncset.done $0x0  }
0xa6: {  	[sflag:s22] =	ssyncadd.s32 s5;
	_ =	sdelay $0x1  }
0xa7: {  	s23 =	simm.s32 $0x1B8B  }
0xa8: {  	_ =	swait.ge [sflag:s23], $0x1  }
0xa9: {  	[sflag:s23] =	ssyncset.done $0x0  }
0xaa: {  	s25 =	simm.s32 $0x1B8E;
	s24 =	sld [smem:$0x3FFE];
	[sflag:s23] =	ssyncadd.s32 $0xFFFFFFFF  }
0xab: {  	s26 =	simm.s32 $execute0_lowered;
	[smem:$0x3FD2] =	sst s25  }
0xac: {  	s6 =	sshll.u32 s26, $0x1;
	_ =	strace $0x80000046;
	[dreg:$0x1] =	wrdreg $0xFFFFFFFF  }
0xad: {  	s28 =	simm.s32 $_size_execute0_lowered;
	s4 =	sadd.s32 s4, s6;
	[dreg:$0x0] =	wrdreg $0x0  }
0xae: {  	s6 =	sshll.u32 s28, $0x1;
	[dreg:$0x2] =	wrdreg s4  }
0xaf: {  	[dreg:$0x3] =	wrdreg s6  }
0xb0: {  	[dreg:$0x4] =	wrdreg $0xC0  }
0xb1: {  	_ =	task [dreg:s8], $0x5FFFF  }
0xb2: {  	[dreg:$0x1] =	wrdreg $0xFFFFFFFF  }
0xb3: {  	[dreg:$0x0] =	wrdreg $0x60  }
0xb4: {  	[dreg:$0x2] =	wrdreg s15  }
0xb5: {  	[dreg:$0x3] =	wrdreg s16  }
0xb6: {  	[dreg:$0x4] =	wrdreg s24  }
0xb7: {  	[dreg:$0x5] =	wrdreg $0x10000  }
0xb8: {  	[dreg:$0x6] =	wrdreg $0x9  }
0xb9: {  	_ =	task.clear_ibuf [dreg:s8], $0x7FFFF;
	_ =	strace $0x90000046  }
0xba: {  	s29 =	simm.s32 $0x9;
	_ =	strace $0x80000048  }
0xbb: {  	_ =	swait.ge [sflag:s29], $0x1  }
0xbc: {  	[sflag:s29] =	ssyncadd.s32 $0xFFFFFFFF  }
0xbd: {  	_ =	strace $0x90000048  }
0xbe: {  	_ =	sfence  }
0xbf: {  	s30 =	sld [smem:$0x0];
	_ =	sdelay $0x2  }
0xc0: {  	s31 =	sshll.u32 s1, $0xD;
	s1 =	sshrl.u32 s1, $0x2  }
0xc1: {  	s3 =	sand.u32 $0x4000, s31;
	s1 =	sadd.s32 s1, s30  }
0xc2: {  	s0 =	sor.u32 s3, s0;
	s1 =	sshll.u32 s1, $0x11  }
0xc3: {  	s0 =	sor.u32 s1, s0  }
0xc4: {  	s0 =	sadd.s32 $0x8F2B, s0  }
0xc5: {  	[sflag:s0] =	ssyncadd.remote.s32 $0x1  }
0xc6: {  	_ =	sfence.sel $0xFFFF  }
0xc7: {  	[dreg:$0x0] =	wrdreg $0xFFFFFFFF;
	(pc) =	sbr.abs _section_cstart, $3  }
0xc8: {  	[dreg:$0x1] =	wrdreg $0xFFFFFFFF  }
0xc9: {  	_ =	task.clear_ibuf [dreg:s8], $0x2FFFF;
	_ =	strace $0x9FFFFFFF  }
0xca: {  	(tm) =	ssettm $0x7FFFFFFF  }
0xcb: {  	_ =	shalt  }
tec
execute0_lowered:
.L_overlay_start_1:
0x0: {  	(tag) =	ssettag $0x1  }
0x1: {  	s4 =	rddreg [dreg:$0x0]  }
0x2: {  	s5 =	rddreg [dreg:$0x1]  }
0x3: {  	s6 =	rddreg [dreg:$0x2]  }
0x4: {  	s2 =	rddreg [dreg:$0x3]  }
0x5: {  	s0 =	rddreg [dreg:$0x4];
	s7 =	srdreg.scid  }
0x6: {  	s3 =	simm.s32 $0x0;
	s1 =	stileid.u32;
	s7 =	sand.u32 $0x1, s7  }
0x7: {  	[smem:$0x7FF] =	sst s3;
	s8 =	sshll.u32 s1, $0xB;
	s31 =	sshll.u32 s1, $0x6  }
0x8: {  	s9 =	sshll.u32 s7, $0xF;
	_ =	strace $0x80000047;
	s11 =	sand.u32 $0x7000, s8  }
0x9: {  	s12 =	sand.u32 $0x800, s8;
	s7 =	ssub.s32 $0x2, s7;
	s30 =	sadd.s32 s8, s2  }
0xa: {  	s10 =	sor.u32 s8, s9;
	s9 =	sor.u32 s9, s11;
	s29 =	sshrl.u32 s7, $0x1  }
0xb: {  	s8 =	simm.s32 $0x1;
	v0 =	vmov s11;
	s11 =	sshrl.u32 s30, $0x3;
	s10 =	sshrl.u32 s10, $0x3  }
0xc: {  	s9 =	sor.u32 s12, s9;
	s12 =	sshrl.u32 s12, $0x3;
	s7 =	ssub.s32 s7, s29  }
0xd: {  	s6 =	sadd.s32 s10, s6;
	s9 =	sshrl.u32 s9, $0x3;
	s4 =	sadd.s32 s4, s12  }
0xe: {  	s7 =	smax.u32 s7, $0x1;
	s10 =	sor.u32 $0x1C01, s31;
	s12 =	simm.s32 $0x0  }
0xf: {  	s5 =	sadd.s32 s5, s9;
	s6 =	sadd.s32 $0xA00, s6;
	s9 =	simm.s32 $0x800  }
.LBB2_1:
0x10: {  	[tilespmem:s3], [sflag:$0x1] =	stream.linear.gather [hbm4b:s4+s3], $0x800, $0x38;
	[tilespmem:$0x1800] =	vst v63  }
0x11: {  	_ =	swait.ge [sflag:s8], $0x800  }
0x12: {  	[sflag:s8] =	ssyncset.done $0x0  }
0x13: {  	[sflag:s8] =	ssyncadd.s32 $0xFFFFF800  }
0x14: {  	[tilespmem:s9], [sflag:$0x1] =	stream.linear.gather [hbm4b:s5+s3], $0x800, $0x38;
	[tilespmem:$0x1800] =	vst v63  }
0x15: {  	_ =	swait.ge [sflag:s8], $0x800  }
0x16: {  	[sflag:s8] =	ssyncset.done $0x0  }
0x17: {  	s13 =	simm.s32 $0x0;
	s14 =	simm.s32 $0x40;
	[sflag:s8] =	ssyncadd.s32 $0xFFFFF800  }
.LBB2_2:
0x18: {  	p0 =	sne.s32 s14, $0x1FC0;
	v1 =	vld [tilespmem:s13+$0x0];
	_ =	sdelay $0x1  }
.Ltmp0:
0x19: {  	(pc) =	sbr.rel @p0 .LBB2_2-.Ltmp0, $3  }
0x1a: {  	_ =	sdelay $0x1  }
0x1b: {  	v1 =	vadd.s32 v0, v1  }
0x1c: {  	[tilespmem:s13+$0x0] =	vst v1;
	s13 =	sshra.s32 s14, $0x2;
	s14 =	sadd.s32 $0x40, s14  }
0x1d: {  	v1 =	vld [tilespmem:s13+$0x0];
	_ =	sdelay $0x4  }
0x1e: {  	v1 =	vadd.s32 v0, v1  }
0x1f: {  	[tilespmem:s13+$0x0] =	vst v1  }
0x20: {  	[spmem:s2] =	stream.indirect.scatter [tilespmem:s9], [sflag:$0x1], $0x1, s3, s9, $0xb8;
	[tilespmem:$0x1800] =	vst v63  }
0x21: {  	_ =	swait.ge [sflag:s8], $0x800  }
0x22: {  	s12 =	sadd.s32 $0x1, s12;
	[sflag:s8] =	ssyncset.done $0x0  }
0x23: {  	p0 =	sne.s32 s12, s7;
	[sflag:s8] =	ssyncadd.s32 $0xFFFFF800  }
.Ltmp1:
0x24: {  	[bflag:$0x0] =	sbarrier.arrive $0xFFFF;
	(pc) =	sbr.rel @p0 .LBB2_1-.Ltmp1, $4  }
0x25: {  	[hbm:s6], [sflag:s10] =	dma.local [spmem:s11], $0x100  }
0x26: {  	_ =	swait.ge [sflag:s8], $0x100  }
0x27: {  	[sflag:s8] =	ssyncset.done $0x0  }
0x28: {  	[sflag:s8] =	ssyncadd.s32 $0xFFFFFF00  }
0x29: {  	_ =	sfence.sel $0x180000  }
0x2a: {  	[bflag:$0x0] =	sbarrier.arrive $0xFFFF  }
0x2b: {  	p0 =	sne.s32 s1, $0x0;
	_ =	strace $0x90000047  }
0x2c: {  	s0 =	sadd.s32 @!p0 $0x100000, s0;
	[bflag:$0x2] =	sbarrier.arrive $0xFFFF  }
0x2d: {  	[sflag:s0] =	ssyncadd.tile.s32 @!p0 $0x1;
	_ =	shalt  }
.Lfunc_end2:
_tile_overlayer_lowered:
.L_overlay_start_2:
0x2e: {  	(tag) =	ssettag $0x2  }
0x2f: {  	s0 =	rddreg [dreg:$0x0];
	s2 =	stileid.u32  }
0x30: {  	s1 =	rddreg [dreg:$0x1];
	p0 =	sne.s32 s2, $0x0  }
0x31: {  	s3 =	rddreg [dreg:$0x2];
	[bflag:$0x3] =	sbarrier.arrive $0xFFFF;
	s2 =	simm.s32 @!p0 $0x1C01  }
0x32: {  	[timem:s3], [sflag:s2] =	dma.local @!p0 [hbm:s0], s1  }
0x33: {  	s0 =	simm.s32 @!p0 $0x1  }
0x34: {  	_ =	swait.ge @!p0 [sflag:s0], s1  }
0x35: {  	s1 =	ssub.s32 @!p0 $0x0, s1;
	[sflag:s0] =	ssyncset.done @!p0 $0x0  }
0x36: {  	[sflag:s0] =	ssyncadd.s32 @!p0 s1  }
0x37: {  	[bflag:$0x3] =	sbarrier.arrive $0xFFFF  }
0x38: {  	_ =	shalt  }

</sc_bundles>
